<compile_context>
chip_gen: v7x
topology: tpu7x:2x2x1
jax: 0.10.2.dev20260603
libtpu: 0.0.44.dev20260713+nightly
codegen_flags: <defaults>
</compile_context>

<pallas_src>
import functools

import jax
import jax.numpy as jnp
from jax import lax
from jax.experimental import pallas as pl
from jax.experimental.pallas import tpu as pltpu
from jax.experimental.pallas import tpu_sc as plsc

E_BLOCK = 6400
NUM_SPECIES = 16
NUM_SCALAR = 64
L = 16
K_LHS = 112
N_OUT = 368


def _r0_edge_sparsecore(edge_index, atom_type, r0_pad16):
    E = edge_index.shape[1]
    N = atom_type.shape[0]
    info = plsc.get_sparse_core_info()
    NC, NS = info.num_cores, info.num_subcores
    NW = NC * NS
    per_w = E // NW
    n_grp = per_w // L
    tail = per_w - n_grp * L

    mesh = plsc.VectorSubcoreMesh(core_axis_name="c", subcore_axis_name="s")

    @functools.partial(
        pl.kernel,
        mesh=mesh,
        out_type=jax.ShapeDtypeStruct((E,), jnp.float32),
        scratch_types=[
            pltpu.VMEM((N,), jnp.int32),
            pltpu.VMEM((per_w,), jnp.int32),
            pltpu.VMEM((per_w,), jnp.int32),
            pltpu.VMEM((per_w,), jnp.float32),
            pltpu.VMEM((L,), jnp.float32),
            pltpu.SemaphoreType.DMA,
        ],
        compiler_params=pltpu.CompilerParams(needs_layout_passes=False),
    )
    def k(ei_hbm, at_hbm, r0_hbm, out_hbm, at_v, i0_v, i1_v, re_v, r0_v, sem):
        wid = lax.axis_index("s") * NC + lax.axis_index("c")
        base = wid * per_w
        cps = [
            pltpu.async_copy(at_hbm, at_v, sem),
            pltpu.async_copy(r0_hbm, r0_v, sem),
            pltpu.async_copy(ei_hbm.at[pl.ds(base, per_w)], i0_v, sem),
            pltpu.async_copy(ei_hbm.at[pl.ds(E + base, per_w)], i1_v, sem),
        ]
        for cp in cps:
            cp.wait()

        def group(off):
            ta = plsc.load_gather(at_v, [i0_v[pl.ds(off, L)]])
            tb = plsc.load_gather(at_v, [i1_v[pl.ds(off, L)]])
            ra = plsc.load_gather(r0_v, [ta])
            rb = plsc.load_gather(r0_v, [tb])
            re_v[pl.ds(off, L)] = 0.5 * (ra + rb)

        def body(g, carry):
            group(g * L)
            return carry

        lax.fori_loop(0, n_grp, body, 0)
        if tail:
            group(per_w - L)

        pltpu.sync_copy(re_v, out_hbm.at[pl.ds(base, per_w)])

    return k(edge_index.reshape(-1), atom_type, r0_pad16)


def _tc_body(aux_ref, x_ref, t_ref, o_ref):
    aux = aux_ref[0]
    et = aux[0:1]
    r = aux[1:2]
    rr = aux[2:3]
    oh = (lax.broadcasted_iota(jnp.int32, (NUM_SPECIES, E_BLOCK), 0)
          == et.astype(jnp.int32)).astype(jnp.float32)
    lg = jnp.log(r / rr)
    rows = [oh]
    rj = r
    for _ in range(5):
        rows.append(rj * oh)
        rj = rj * r
    rows.append(lg * oh)
    lhs = jnp.concatenate(rows, axis=0)
    m = lax.dot_general(lhs, t_ref[...], (((0,), (0,)), ((), ())),
                        preferred_element_type=jnp.float32)
    x = x_ref[...]
    p = m[:, 0:64]
    z = m[:, 64:128]
    scv = m[:, 128:368]
    sh = p * jnp.exp(z)
    scaled = scv * x
    o_ref[:, :NUM_SCALAR] = scaled[:, :NUM_SCALAR] + sh
    o_ref[:, NUM_SCALAR:] = scaled[:, NUM_SCALAR:]


def kernel(in_field, edge_index, edge_type, atom_type, edge_length, scales, shifts, r0):
    E, D = in_field.shape
    G = E // E_BLOCK

    r0_pad16 = jnp.pad(r0, (0, L - r0.shape[0]))
    r0_edge = _r0_edge_sparsecore(edge_index, atom_type, r0_pad16)

    scales_exp = jnp.concatenate(
        [scales[:, :NUM_SCALAR],
         jnp.repeat(scales[:, 64:96], 3, axis=1),
         jnp.repeat(scales[:, 96:112], 5, axis=1)], axis=1)
    tbl = jnp.zeros((K_LHS, N_OUT), jnp.float32)
    tbl = tbl.at[0:16, 128:368].set(scales_exp)
    for j in range(6):
        tbl = tbl.at[16 * j:16 * (j + 1), 0:64].set(shifts[:, :, j])
    tbl = tbl.at[96:112, 64:128].set(-(1.0 + jnp.abs(shifts[:, :, 6])))

    aux = jnp.zeros((G, 8, E_BLOCK), jnp.float32)
    aux = aux.at[:, 0, :].set(edge_type.reshape(G, E_BLOCK).astype(jnp.float32))
    aux = aux.at[:, 1, :].set(edge_length.reshape(G, E_BLOCK))
    aux = aux.at[:, 2, :].set(r0_edge.reshape(G, E_BLOCK))

    return pl.pallas_call(
        _tc_body,
        grid=(G,),
        in_specs=[
            pl.BlockSpec((1, 8, E_BLOCK), lambda i: (i, 0, 0)),
            pl.BlockSpec((E_BLOCK, D), lambda i: (i, 0)),
            pl.BlockSpec((K_LHS, N_OUT), lambda i: (0, 0)),
        ],
        out_specs=pl.BlockSpec((E_BLOCK, D), lambda i: (i, 0)),
        out_shape=jax.ShapeDtypeStruct((E, D), jnp.float32),
        compiler_params=pltpu.CompilerParams(
            dimension_semantics=("parallel",),
        ),
    )(aux, in_field, tbl)

# --- scband reference (transcript-rebuilt; emitter-appended) ---
"""Pipeline reference for scband-e3-per-edge-species-radial-dpdt-scale-shift-48696339202645 (READ-ONLY COPY).

The authoritative reference and input builder live on the scoring server;
editing this copy changes nothing except your own understanding.
"""

import jax, jax.numpy as jnp
import numpy as np

N_NODES = 10000
N_EDGES = 160000
NUM_TYPES = 4
NUM_SCALAR = 64
NUM_IRREPS = 112
IRREPS_DIM = 240

def _build_irreps_indices():
    # irreps_in = 64x0e + 32x1o + 16x2e, mirrors the torch __init__ index construction
    shift_index = []
    scale_index = []
    start = 0
    start_scalar = 0
    for mul, ir_dim, is_scalar in [(64, 1, True), (32, 3, False), (16, 5, False)]:
        if is_scalar:
            shift_index += list(range(start_scalar, start_scalar + mul))
            start_scalar += mul
        else:
            shift_index += [-1] * (mul * ir_dim)
        for _ in range(mul):
            scale_index += [start] * ir_dim
            start += 1
    return np.asarray(shift_index, dtype=np.int32), np.asarray(scale_index, dtype=np.int32)

SHIFT_INDEX, SCALE_INDEX = _build_irreps_indices()
SCALAR_POS = np.where(SHIFT_INDEX >= 0)[0]

def poly5pow(rij, paraArray, r0):
    # h(rij) = (a1 + a2 r + a3 r^2 + a4 r^3 + a5 r^4 + a6 r^5) * (r/r0)^(-(1+|a7|))
    a1 = paraArray[..., 0]
    a2 = paraArray[..., 1]
    a3 = paraArray[..., 2]
    a4 = paraArray[..., 3]
    a5 = paraArray[..., 4]
    a6 = paraArray[..., 5]
    a7 = jnp.abs(paraArray[..., 6])
    r = rij[:, None]
    rr0 = r0[:, None]
    poly = a1 + a2 * r + a3 * r ** 2 + a4 * r ** 3 + a5 * r ** 4 + a6 * r ** 5
    return poly * (r / rr0) ** (-(1.0 + a7))

def setup_inputs(seed: int = 0):
    key = jax.random.key(seed)
    ks = jax.random.split(key, 8)
    in_field = jax.random.normal(ks[0], (N_EDGES, IRREPS_DIM), dtype=jnp.float32)
    edge_index = jax.random.randint(ks[1], (2, N_EDGES), 0, N_NODES, dtype=jnp.int32)
    edge_type = jax.random.randint(ks[2], (N_EDGES,), 0, NUM_TYPES * NUM_TYPES, dtype=jnp.int32)
    atom_type = jax.random.randint(ks[3], (N_NODES,), 0, NUM_TYPES, dtype=jnp.int32)
    edge_length = 1.0 + 4.0 * jax.random.uniform(ks[4], (N_EDGES,), dtype=jnp.float32)
    scales = 1.0 + 0.1 * jax.random.normal(ks[5], (NUM_TYPES * NUM_TYPES, NUM_IRREPS), dtype=jnp.float32)
    shifts = 0.1 * jax.random.normal(ks[6], (NUM_TYPES * NUM_TYPES, NUM_SCALAR, 7), dtype=jnp.float32)
    r0 = 1.0 + 2.0 * jax.random.uniform(ks[7], (NUM_TYPES,), dtype=jnp.float32)
    return {"in_field": in_field, "edge_index": edge_index, "edge_type": edge_type, "atom_type": atom_type, "edge_length": edge_length, "scales": scales, "shifts": shifts, "r0": r0}

def reference(in_field, edge_index, edge_type, atom_type, edge_length, scales, shifts, r0):
    species_idx = edge_type.reshape(-1)
    edge_atom_type = atom_type.reshape(-1)[edge_index]  # [2, E]
    # per-species-pair scales gathered per edge, expanded over irrep components
    out = scales[species_idx][:, SCALE_INDEX] * in_field
    # per-species-pair radial-shift params gathered per edge
    sh_params = shifts[species_idx][:, SHIFT_INDEX[SCALAR_POS]]  # [E, num_scalar, 7]
    r0_edge = r0[edge_atom_type].sum(axis=0) * 0.5  # [E]
    sh = poly5pow(edge_length, sh_params, r0_edge)  # [E, num_scalar]
    out = out.at[:, SCALAR_POS].add(sh)
    return out

if __name__ == "__main__":
    import jax
    _d = setup_inputs()
    print(jax.jit(kernel)(*tuple(_d.values())))

</pallas_src>

<mosaic_0001>
#map = affine_map<(d0, d1) -> (0)>
module attributes {stable_mosaic.version = 14 : i64} {
  func.func @k(%arg0: i32, %arg1: i32, %arg2: memref<320000xi32, #tpu.memory_space<hbm>>, %arg3: memref<10000xi32, #tpu.memory_space<hbm>>, %arg4: memref<16xf32, #tpu.memory_space<hbm>>, %arg5: memref<160000xf32, #tpu.memory_space<hbm>>, %arg6: memref<10000xi32, #tpu.memory_space<vmem>>, %arg7: memref<5000xi32, #tpu.memory_space<vmem>>, %arg8: memref<5000xi32, #tpu.memory_space<vmem>>, %arg9: memref<5000xf32, #tpu.memory_space<vmem>>, %arg10: memref<16xf32, #tpu.memory_space<vmem>>, %arg11: memref<!tpu.dma_semaphore, #tpu.memory_space<semaphore_mem>>) attributes {dimension_semantics = [#tpu.dimension_semantics<core_parallel>, #tpu.dimension_semantics<subcore_parallel>], iteration_bounds = array<i64: 2, 16>, scalar_prefetch = 0 : i64, scratch_operands = 6 : i64, tpu.core_type = #tpu.core_type<sc_vector_subcore>, window_params = [{transform_indices = #map}, {transform_indices = #map}, {transform_indices = #map}, {transform_indices = #map}]} {
    %mul3A = arith.constant 2 : i32
    %mul3A_0 = arith.muli %arg1, %mul3A : i32
    %add3A = arith.addi %mul3A_0, %arg0 : i32
    %mul3A_1 = arith.constant 5000 : i32
    %mul3A_2 = arith.muli %add3A, %mul3A_1 : i32
    tpu.enqueue_dma source(%arg3 : memref<10000xi32, #tpu.memory_space<hbm>>) target(%arg6 : memref<10000xi32, #tpu.memory_space<vmem>>) target_semaphore(%arg11 : memref<!tpu.dma_semaphore, #tpu.memory_space<semaphore_mem>>)
    tpu.enqueue_dma source(%arg4 : memref<16xf32, #tpu.memory_space<hbm>>) target(%arg10 : memref<16xf32, #tpu.memory_space<vmem>>) target_semaphore(%arg11 : memref<!tpu.dma_semaphore, #tpu.memory_space<semaphore_mem>>)
    %dma_start3A = tpu.memref_slice %arg2[%mul3A_2] : memref<320000xi32, #tpu.memory_space<hbm>> -> memref<5000xi32, #tpu.memory_space<hbm>>
    %dma_start3A_3 = tpu.memref_slice %arg2[%mul3A_2] : memref<320000xi32, #tpu.memory_space<hbm>> -> memref<5000xi32, #tpu.memory_space<hbm>>
    tpu.enqueue_dma source(%dma_start3A_3 : memref<5000xi32, #tpu.memory_space<hbm>>) target(%arg7 : memref<5000xi32, #tpu.memory_space<vmem>>) target_semaphore(%arg11 : memref<!tpu.dma_semaphore, #tpu.memory_space<semaphore_mem>>)
    %add3A_4 = arith.constant 160000 : i32
    %add3A_5 = arith.addi %add3A_4, %mul3A_2 : i32
    %dma_start3A_6 = tpu.memref_slice %arg2[%add3A_5] : memref<320000xi32, #tpu.memory_space<hbm>> -> memref<5000xi32, #tpu.memory_space<hbm>>
    %dma_start3A_7 = tpu.memref_slice %arg2[%add3A_5] : memref<320000xi32, #tpu.memory_space<hbm>> -> memref<5000xi32, #tpu.memory_space<hbm>>
    tpu.enqueue_dma source(%dma_start3A_7 : memref<5000xi32, #tpu.memory_space<hbm>>) target(%arg8 : memref<5000xi32, #tpu.memory_space<vmem>>) target_semaphore(%arg11 : memref<!tpu.dma_semaphore, #tpu.memory_space<semaphore_mem>>)
    tpu.wait_dma2 semaphore(%arg11 : memref<!tpu.dma_semaphore, #tpu.memory_space<semaphore_mem>>) src(%arg3 : memref<10000xi32, #tpu.memory_space<hbm>>) dst(%arg6 : memref<10000xi32, #tpu.memory_space<vmem>>)
    tpu.wait_dma2 semaphore(%arg11 : memref<!tpu.dma_semaphore, #tpu.memory_space<semaphore_mem>>) src(%arg4 : memref<16xf32, #tpu.memory_space<hbm>>) dst(%arg10 : memref<16xf32, #tpu.memory_space<vmem>>)
    %dma_wait3A = tpu.memref_slice %arg2[%mul3A_2] : memref<320000xi32, #tpu.memory_space<hbm>> -> memref<5000xi32, #tpu.memory_space<hbm>>
    %dma_wait3A_8 = tpu.memref_slice %arg2[%mul3A_2] : memref<320000xi32, #tpu.memory_space<hbm>> -> memref<5000xi32, #tpu.memory_space<hbm>>
    tpu.wait_dma2 semaphore(%arg11 : memref<!tpu.dma_semaphore, #tpu.memory_space<semaphore_mem>>) src(%dma_wait3A_8 : memref<5000xi32, #tpu.memory_space<hbm>>) dst(%arg7 : memref<5000xi32, #tpu.memory_space<vmem>>)
    %dma_wait3A_9 = tpu.memref_slice %arg2[%add3A_5] : memref<320000xi32, #tpu.memory_space<hbm>> -> memref<5000xi32, #tpu.memory_space<hbm>>
    %dma_wait3A_10 = tpu.memref_slice %arg2[%add3A_5] : memref<320000xi32, #tpu.memory_space<hbm>> -> memref<5000xi32, #tpu.memory_space<hbm>>
    tpu.wait_dma2 semaphore(%arg11 : memref<!tpu.dma_semaphore, #tpu.memory_space<semaphore_mem>>) src(%dma_wait3A_10 : memref<5000xi32, #tpu.memory_space<hbm>>) dst(%arg8 : memref<5000xi32, #tpu.memory_space<vmem>>)
    %scan3A = arith.constant 0 : i32
    %scan3A_11 = arith.constant 0 : i32
    %scan3A_12 = arith.constant 312 : i32
    %scan3A_13 = arith.addi %scan3A_11, %scan3A_12 : i32
    %scan3A_14 = arith.constant 1 : i32
    scf.for %scan3A_27 = %scan3A_11 to %scan3A_13 step %scan3A_14  : i32 {
      %mul3A_28 = arith.constant 16 : i32
      %mul3A_29 = arith.muli %scan3A_27, %mul3A_28 : i32
      %get3A_30 = arith.index_cast %mul3A_29 : i32 to index
      %get3A_31 = tpu.vector_load %arg7[%get3A_30] {strides = array<i32>} : memref<5000xi32, #tpu.memory_space<vmem>>, vector<16xi32>,
      %gather3A_32 = tpu.vector_load_idx %arg6[%get3A_31] : memref<10000xi32, #tpu.memory_space<vmem>>[vector<16xi32>], vector<16xi32>,
      %get3A_33 = arith.index_cast %mul3A_29 : i32 to index
      %get3A_34 = tpu.vector_load %arg8[%get3A_33] {strides = array<i32>} : memref<5000xi32, #tpu.memory_space<vmem>>, vector<16xi32>,
      %gather3A_35 = tpu.vector_load_idx %arg6[%get3A_34] : memref<10000xi32, #tpu.memory_space<vmem>>[vector<16xi32>], vector<16xi32>,
      %gather3A_36 = tpu.vector_load_idx %arg10[%gather3A_32] : memref<16xf32, #tpu.memory_space<vmem>>[vector<16xi32>], vector<16xf32>,
      %gather3A_37 = tpu.vector_load_idx %arg10[%gather3A_35] : memref<16xf32, #tpu.memory_space<vmem>>[vector<16xi32>], vector<16xf32>,
      %add3A_38 = arith.addf %gather3A_36, %gather3A_37 : vector<16xf32>
      %mul3A_39 = arith.constant 5.000000e-01 : f32
      %mul3A_40 = vector.broadcast %mul3A_39 : f32 to vector<16xf32>
      %mul3A_41 = arith.mulf %mul3A_40, %add3A_38 : vector<16xf32>
      %swap3A_42 = arith.index_cast %mul3A_29 : i32 to index
      %swap3A_43 = tpu.vector_load %arg9[%swap3A_42] {strides = array<i32>} : memref<5000xf32, #tpu.memory_space<vmem>>, vector<16xf32>,
      tpu.vector_store %arg9[%swap3A_42], %mul3A_41 {strides = array<i32>} : memref<5000xf32, #tpu.memory_space<vmem>>, vector<16xf32>,
    }
    %scan3A_15 = arith.constant 312 : i32
    %get3A = arith.constant 4984 : index
    %get3A_16 = tpu.vector_load %arg7[%get3A] {strides = array<i32>} : memref<5000xi32, #tpu.memory_space<vmem>>, vector<16xi32>,
    %gather3A = tpu.vector_load_idx %arg6[%get3A_16] : memref<10000xi32, #tpu.memory_space<vmem>>[vector<16xi32>], vector<16xi32>,
    %get3A_17 = arith.constant 4984 : index
    %get3A_18 = tpu.vector_load %arg8[%get3A_17] {strides = array<i32>} : memref<5000xi32, #tpu.memory_space<vmem>>, vector<16xi32>,
    %gather3A_19 = tpu.vector_load_idx %arg6[%get3A_18] : memref<10000xi32, #tpu.memory_space<vmem>>[vector<16xi32>], vector<16xi32>,
    %gather3A_20 = tpu.vector_load_idx %arg10[%gather3A] : memref<16xf32, #tpu.memory_space<vmem>>[vector<16xi32>], vector<16xf32>,
    %gather3A_21 = tpu.vector_load_idx %arg10[%gather3A_19] : memref<16xf32, #tpu.memory_space<vmem>>[vector<16xi32>], vector<16xf32>,
    %add3A_22 = arith.addf %gather3A_20, %gather3A_21 : vector<16xf32>
    %mul3A_23 = arith.constant 5.000000e-01 : f32
    %mul3A_24 = vector.broadcast %mul3A_23 : f32 to vector<16xf32>
    %mul3A_25 = arith.mulf %mul3A_24, %add3A_22 : vector<16xf32>
    %swap3A = arith.constant 4984 : index
    %swap3A_26 = tpu.vector_load %arg9[%swap3A] {strides = array<i32>} : memref<5000xf32, #tpu.memory_space<vmem>>, vector<16xf32>,
    tpu.vector_store %arg9[%swap3A], %mul3A_25 {strides = array<i32>} : memref<5000xf32, #tpu.memory_space<vmem>>, vector<16xf32>,
    "tpu.region"() ({
      %run_scoped3A = tpu.sem_alloc : memref<!tpu.dma_semaphore, #tpu.memory_space<semaphore_mem>>
      %dma_start3A_27 = tpu.memref_slice %arg5[%mul3A_2] : memref<160000xf32, #tpu.memory_space<hbm>> -> memref<5000xf32, #tpu.memory_space<hbm>>
      %dma_start3A_28 = tpu.memref_slice %arg5[%mul3A_2] : memref<160000xf32, #tpu.memory_space<hbm>> -> memref<5000xf32, #tpu.memory_space<hbm>>
      tpu.enqueue_dma source(%arg9 : memref<5000xf32, #tpu.memory_space<vmem>>) target(%dma_start3A_28 : memref<5000xf32, #tpu.memory_space<hbm>>) target_semaphore(%run_scoped3A : memref<!tpu.dma_semaphore, #tpu.memory_space<semaphore_mem>>)
      %dma_wait3A_29 = tpu.memref_slice %arg5[%mul3A_2] : memref<160000xf32, #tpu.memory_space<hbm>> -> memref<5000xf32, #tpu.memory_space<hbm>>
      %dma_wait3A_30 = tpu.memref_slice %arg5[%mul3A_2] : memref<160000xf32, #tpu.memory_space<hbm>> -> memref<5000xf32, #tpu.memory_space<hbm>>
      tpu.wait_dma2 semaphore(%run_scoped3A : memref<!tpu.dma_semaphore, #tpu.memory_space<semaphore_mem>>) src(%arg9 : memref<5000xf32, #tpu.memory_space<vmem>>) dst(%dma_wait3A_30 : memref<5000xf32, #tpu.memory_space<hbm>>)
      tpu.yield
    }) : () -> ()
    return
  }
}

module attributes {stable_mosaic.version = 14 : i64} {
  func.func @_tc_body(%arg0: i32, %arg1: memref<1x8x6400xf32, #tpu.memory_space<vmem>>, %arg2: memref<6400x240xf32, #tpu.memory_space<vmem>>, %arg3: memref<112x368xf32, #tpu.memory_space<vmem>>, %arg4: memref<6400x240xf32, #tpu.memory_space<vmem>>) attributes {dimension_semantics = [#tpu.dimension_semantics<parallel>], iteration_bounds = array<i64: 25>, scalar_prefetch = 0 : i64, scratch_operands = 0 : i64, tpu.core_type = #tpu.core_type<tc>, window_params = [{transform_indices = @transform_0, window_bounds = array<i64: 1, 8, 6400>}, {transform_indices = @transform_1, window_bounds = array<i64: 6400, 240>}, {pipeline_mode = #tpu.pipeline_mode<synchronous>, transform_indices = @transform_2, window_bounds = array<i64: 112, 368>}, {transform_indices = @transform_3, window_bounds = array<i64: 6400, 240>}]} {
    %get3A = arith.constant 0 : index
    %get3A_0 = arith.constant 0 : index
    %get3A_1 = arith.constant 0 : index
    %get3A_2 = vector.load %arg1[%get3A, %get3A_0, %get3A_1] : memref<1x8x6400xf32, #tpu.memory_space<vmem>>, vector<1x8x6400xf32>
    %get3A_3 = vector.shape_cast %get3A_2 : vector<1x8x6400xf32> to vector<8x6400xf32>
    %slice3A = vector.extract_strided_slice %get3A_3 {offsets = [0, 0], sizes = [1, 6400], strides = [1, 1]} : vector<8x6400xf32> to vector<1x6400xf32>
    %slice3A_4 = vector.extract_strided_slice %get3A_3 {offsets = [1, 0], sizes = [1, 6400], strides = [1, 1]} : vector<8x6400xf32> to vector<1x6400xf32>
    %slice3A_5 = vector.extract_strided_slice %get3A_3 {offsets = [2, 0], sizes = [1, 6400], strides = [1, 1]} : vector<8x6400xf32> to vector<1x6400xf32>
    %iota3A = tpu.iota {dimensions = array<i32: 0>} : vector<16x6400xi32>
    %convert_element_type3A = arith.fptosi %slice3A : vector<1x6400xf32> to vector<1x6400xi32>
    %eq3A = vector.broadcast %convert_element_type3A : vector<1x6400xi32> to vector<16x6400xi32>
    %eq3A_6 = arith.cmpi eq, %iota3A, %eq3A : vector<16x6400xi32>
    %convert_element_type3A_7 = arith.extui %eq3A_6 : vector<16x6400xi1> to vector<16x6400xi32>
    %convert_element_type3A_8 = arith.sitofp %convert_element_type3A_7 : vector<16x6400xi32> to vector<16x6400xf32>
    %div3A = arith.divf %slice3A_4, %slice3A_5 : vector<1x6400xf32>
    %log3A = math.log %div3A : vector<1x6400xf32>
    %mul3A = vector.broadcast %slice3A_4 : vector<1x6400xf32> to vector<16x6400xf32>
    %mul3A_9 = arith.mulf %mul3A, %convert_element_type3A_8 : vector<16x6400xf32>
    %mul3A_10 = arith.mulf %slice3A_4, %slice3A_4 : vector<1x6400xf32>
    %mul3A_11 = vector.broadcast %mul3A_10 : vector<1x6400xf32> to vector<16x6400xf32>
    %mul3A_12 = arith.mulf %mul3A_11, %convert_element_type3A_8 : vector<16x6400xf32>
    %mul3A_13 = arith.mulf %mul3A_10, %slice3A_4 : vector<1x6400xf32>
    %mul3A_14 = vector.broadcast %mul3A_13 : vector<1x6400xf32> to vector<16x6400xf32>
    %mul3A_15 = arith.mulf %mul3A_14, %convert_element_type3A_8 : vector<16x6400xf32>
    %mul3A_16 = arith.mulf %mul3A_13, %slice3A_4 : vector<1x6400xf32>
    %mul3A_17 = vector.broadcast %mul3A_16 : vector<1x6400xf32> to vector<16x6400xf32>
    %mul3A_18 = arith.mulf %mul3A_17, %convert_element_type3A_8 : vector<16x6400xf32>
    %mul3A_19 = arith.mulf %mul3A_16, %slice3A_4 : vector<1x6400xf32>
    %mul3A_20 = vector.broadcast %mul3A_19 : vector<1x6400xf32> to vector<16x6400xf32>
    %mul3A_21 = arith.mulf %mul3A_20, %convert_element_type3A_8 : vector<16x6400xf32>
    %mul3A_22 = vector.broadcast %log3A : vector<1x6400xf32> to vector<16x6400xf32>
    %mul3A_23 = arith.mulf %mul3A_22, %convert_element_type3A_8 : vector<16x6400xf32>
    %concatenate3A = tpu.concatenate %convert_element_type3A_8, %mul3A_9, %mul3A_12, %mul3A_15, %mul3A_18, %mul3A_21, %mul3A_23 in 0 : vector<16x6400xf32>, vector<16x6400xf32>, vector<16x6400xf32>, vector<16x6400xf32>, vector<16x6400xf32>, vector<16x6400xf32>, vector<16x6400xf32> -> vector<112x6400xf32>
    %get3A_24 = arith.constant 0 : index
    %get3A_25 = arith.constant 0 : index
    %get3A_26 = vector.load %arg3[%get3A_24, %get3A_25] : memref<112x368xf32, #tpu.memory_space<vmem>>, vector<112x368xf32>
    %dot_general3A = arith.constant dense<0.000000e+00> : vector<6400x368xf32>
    %dot_general3A_27 = tpu.matmul %concatenate3A, %get3A_26, %dot_general3A {dimension_numbers = #tpu.dot_dimension_numbers<[0], [0], [1], [1], [0, 1, 1, 1], [], []>, transpose_lhs_hint = false} : vector<112x6400xf32>, vector<112x368xf32>, vector<6400x368xf32> -> vector<6400x368xf32>
    %get3A_28 = arith.constant 0 : index
    %get3A_29 = arith.constant 0 : index
    %get3A_30 = vector.load %arg2[%get3A_28, %get3A_29] : memref<6400x240xf32, #tpu.memory_space<vmem>>, vector<6400x240xf32>
    %slice3A_31 = vector.extract_strided_slice %dot_general3A_27 {offsets = [0, 0], sizes = [6400, 64], strides = [1, 1]} : vector<6400x368xf32> to vector<6400x64xf32>
    %slice3A_32 = vector.extract_strided_slice %dot_general3A_27 {offsets = [0, 64], sizes = [6400, 64], strides = [1, 1]} : vector<6400x368xf32> to vector<6400x64xf32>
    %slice3A_33 = vector.extract_strided_slice %dot_general3A_27 {offsets = [0, 128], sizes = [6400, 240], strides = [1, 1]} : vector<6400x368xf32> to vector<6400x240xf32>
    %exp3A = math.exp %slice3A_32 : vector<6400x64xf32>
    %mul3A_34 = arith.mulf %slice3A_31, %exp3A : vector<6400x64xf32>
    %mul3A_35 = arith.mulf %slice3A_33, %get3A_30 : vector<6400x240xf32>
    %slice3A_36 = vector.extract_strided_slice %mul3A_35 {offsets = [0, 0], sizes = [6400, 64], strides = [1, 1]} : vector<6400x240xf32> to vector<6400x64xf32>
    %add3A = arith.addf %slice3A_36, %mul3A_34 : vector<6400x64xf32>
    %swap3A = arith.constant 0 : index
    %swap3A_37 = arith.constant 0 : index
    %swap3A_38 = vector.load %arg4[%swap3A, %swap3A_37] : memref<6400x240xf32, #tpu.memory_space<vmem>>, vector<6400x64xf32>
    tpu.vector_store %arg4[%swap3A, %swap3A_37], %add3A {strides = array<i32>} : memref<6400x240xf32, #tpu.memory_space<vmem>>, vector<6400x64xf32>,
    %slice3A_39 = vector.extract_strided_slice %mul3A_35 {offsets = [0, 64], sizes = [6400, 176], strides = [1, 1]} : vector<6400x240xf32> to vector<6400x176xf32>
    %swap3A_40 = arith.constant 0 : index
    %swap3A_41 = arith.constant 64 : index
    %swap3A_42 = vector.load %arg4[%swap3A_40, %swap3A_41] : memref<6400x240xf32, #tpu.memory_space<vmem>>, vector<6400x176xf32>
    tpu.vector_store %arg4[%swap3A_40, %swap3A_41], %slice3A_39 {strides = array<i32>} : memref<6400x240xf32, #tpu.memory_space<vmem>>, vector<6400x176xf32>,
    return
  }
  func.func @transform_0(%arg0: i32) -> (i32, i32, i32) {
    %c0_i32 = arith.constant 0 : i32
    %c0_i32_0 = arith.constant 0 : i32
    %c0_i32_1 = arith.constant 0 : i32
    return %arg0, %c0_i32, %c0_i32_0 : i32, i32, i32
  }
  func.func @transform_1(%arg0: i32) -> (i32, i32) {
    %c0_i32 = arith.constant 0 : i32
    %c0_i32_0 = arith.constant 0 : i32
    return %arg0, %c0_i32 : i32, i32
  }
  func.func @transform_2(%arg0: i32) -> (i32, i32) {
    %c0_i32 = arith.constant 0 : i32
    %c0_i32_0 = arith.constant 0 : i32
    %c0_i32_1 = arith.constant 0 : i32
    return %c0_i32, %c0_i32_0 : i32, i32
  }
  func.func @transform_3(%arg0: i32) -> (i32, i32) {
    %c0_i32 = arith.constant 0 : i32
    %c0_i32_0 = arith.constant 0 : i32
    return %arg0, %c0_i32 : i32, i32
  }
}

</mosaic_0001>

<sc_bundles>
// kernel: kernel.4.cloned.1.call-start
scs
__scs_entry_jumppad:
0x0: {  	(pc) =	sbr.rel $0x88, $3  }
0x1: {  	(tag) =	ssettag $0x0;
	lr =	simm.s32 $0x1  }
0x2: {  	[smem:$0x3F99] =	sst lr;
	_ =	strace $0xD0000000  }
0x3: {  	_ = 	snop  }
0x4: {  	_ = 	snop  }
0x5: {  	_ = 	snop  }
0x6: {  	_ = 	snop  }
0x7: {  	_ = 	snop  }
__scs_overlays_trampoline_lowered:
0x8: {  	[smem:$0x3FA8] =	sst s0  }
0x9: {  	[smem:$0x3FA9] =	sst s1  }
0xa: {  	[smem:$0x3FAA] =	sst s2  }
0xb: {  	[smem:$0x3FAB] =	sst s3  }
0xc: {  	[smem:$0x3FAC] =	sst s4  }
0xd: {  	[smem:$0x3FAD] =	sst s5  }
0xe: {  	[smem:$0x3FAE] =	sst s6  }
0xf: {  	[smem:$0x3FAF] =	sst s7  }
0x10: {  	[smem:$0x3FB0] =	sst s8  }
0x11: {  	[smem:$0x3FB1] =	sst s9;
	s0 =	simm.s32 @!p0 $0x0  }
0x12: {  	s1 =	sld [smem:$0x3F97];
	s0 =	simm.s32 @p0 $0x1  }
0x13: {  	[smem:$0x3FB2] =	sst s0;
	s0 =	simm.s32 @!p1 $0x0  }
0x14: {  	s2 =	sld [smem:$0x3F96];
	s0 =	simm.s32 @p1 $0x1  }
0x15: {  	[smem:$0x3FB3] =	sst s0;
	s0 =	simm.s32 @!p2 $0x0  }
0x16: {  	s3 =	sld [smem:$0x3FDB];
	s0 =	simm.s32 @p2 $0x1  }
0x17: {  	s4 =	simm.s32 $0x1BF5;
	[smem:$0x3FB5] =	sst s0  }
0x18: {  	s0 =	sld [smem:$0x3F98];
	_ =	swait.ge [sflag:s4], $0x0  }
0x19: {  	s7 =	sld [smem:$0x3F99]  }
0x1a: {  	s8 =	sadd.s32 $0xFFFFE003, lr  }
0x1b: {  	s9 =	sadd.s32 $0xFFFFFEF7, lr;
	s5 =	simm.s32 $0xFFFFFFFF;
	p2 =	slt.u32 s8, $0xFFFFF086  }
0x1c: {  	p1 =	slt.u32 s9, $0xF7A;
	s5 =	simm.s32 @!p2 $0x0  }
0x1d: {  	s5 =	simm.s32 @p1 $0x1;
	p0 =	seq.s32 s7, s2  }
0x1e: {  	s7 =	smul.u32 @!p0 $0xF7A, s2;
	p2 =	seq.s32 @!p0 s5, $0x0  }
0x1f: {  	s9 =	smul.u32 $0xF7A, s1;
	s8 =	simm.s32 @!p0 $0x1BF5;
	p2 =	por !p2, p0  }
0x20: {  	[sflag:s8] =	ssyncset.s32 @!p0 $0xFFFFF086;
	s6 =	sadd.s32 @!p0 s3, s7;
	s7 =	simm.s32 @!p0 $0x108  }
0x21: {  	s3 =	sadd.s32 s3, s9;
	s6 =	sadd.s32 @!p0 $0x88, s6;
	s7 =	simm.s32 @p2 $0x1082  }
0x22: {  	[simem:s7], [sflag:s8] =	dma.local @!p0 [hbm:s6], $0xF7A  }
0x23: {  	s9 =	sor.u32 $0xD0000000, s2;
	s6 =	simm.s32 $0x108;
	_ =	swait.ge @!p0 [sflag:s8], $0x0  }
0x24: {  	s3 =	sadd.s32 $0x88, s3;
	s6 =	simm.s32 @!p1 $0x1082;
	[sflag:s4] =	ssyncset.s32 $0xFFFFF086  }
0x25: {  	[simem:s6], [sflag:s4] =	dma.local [hbm:s3], $0xF7A  }
0x26: {  	[smem:$0x3F99] =	sst s1;
	(tag) =	ssettag s2;
	_ =	strace s9  }
0x27: {  	s1 =	sld [smem:$0x3FA9]  }
0x28: {  	s2 =	sld [smem:$0x3FAA]  }
0x29: {  	s4 =	sld [smem:$0x3FAC]  }
0x2a: {  	p0 =	seq.s32 s5, $0x0;
	s5 =	sld [smem:$0x3FAD]  }
0x2b: {  	s6 =	sld [smem:$0x3FAE]  }
0x2c: {  	s7 =	sld [smem:$0x3FAF]  }
0x2d: {  	s3 =	simm.s32 $0x108;
	s8 =	sld [smem:$0x3FB0]  }
0x2e: {  	s3 =	simm.s32 @!p0 $0x1082;
	s9 =	sld [smem:$0x3FB1]  }
0x2f: {  	lr =	sadd.s32 s0, s3;
	s0 =	sld [smem:$0x3FA8]  }
0x30: {  	s3 =	sld [smem:$0x3FAB]  }
0x31: {  	[smem:$0x3FB4] =	sst s10  }
0x32: {  	s10 =	sld [smem:$0x3FB2];
	_ =	sdelay $0x3  }
0x33: {  	p0 =	seq.s32 s10, $0x1;
	s10 =	sld [smem:$0x3FB4];
	_ =	sdelay $0x3  }
0x34: {  	[smem:$0x3FB4] =	sst s10  }
0x35: {  	s10 =	sld [smem:$0x3FB3];
	_ =	sdelay $0x3  }
0x36: {  	p1 =	seq.s32 s10, $0x1;
	s10 =	sld [smem:$0x3FB4];
	_ =	sdelay $0x3  }
0x37: {  	[smem:$0x3FB4] =	sst s10  }
0x38: {  	s10 =	sld [smem:$0x3FB5]  }
0x39: {  	_ = 	snop;
	(pc) =	sbr.ind lr, $3  }
0x3a: {  	_ = 	snop  }
0x3b: {  	_ = 	snop  }
0x3c: {  	p2 =	seq.s32 s10, $0x1;
	s10 =	sld [smem:$0x3FB4]  }
0x3d: {  	_ =	shalt  }
0x3e: {  	_ =	shalt  }
0x3f: {  	_ =	shalt  }
0x40: {  	_ =	shalt  }
0x41: {  	_ =	shalt  }
0x42: {  	_ =	shalt  }
0x43: {  	_ =	shalt  }
0x44: {  	_ =	shalt  }
0x45: {  	_ =	shalt  }
0x46: {  	_ =	shalt  }
0x47: {  	_ =	shalt  }
0x48: {  	_ =	shalt  }
0x49: {  	_ =	shalt  }
0x4a: {  	_ =	shalt  }
0x4b: {  	_ =	shalt  }
0x4c: {  	_ =	shalt  }
0x4d: {  	_ =	shalt  }
0x4e: {  	_ =	shalt  }
0x4f: {  	_ =	shalt  }
0x50: {  	_ =	shalt  }
0x51: {  	_ =	shalt  }
0x52: {  	_ =	shalt  }
0x53: {  	_ =	shalt  }
0x54: {  	_ =	shalt  }
0x55: {  	_ =	shalt  }
0x56: {  	_ =	shalt  }
0x57: {  	_ =	shalt  }
0x58: {  	_ =	shalt  }
0x59: {  	_ =	shalt  }
0x5a: {  	_ =	shalt  }
0x5b: {  	_ =	shalt  }
0x5c: {  	_ =	shalt  }
0x5d: {  	_ =	shalt  }
0x5e: {  	_ =	shalt  }
0x5f: {  	_ =	shalt  }
0x60: {  	_ =	shalt  }
0x61: {  	_ =	shalt  }
0x62: {  	_ =	shalt  }
0x63: {  	_ =	shalt  }
0x64: {  	_ =	shalt  }
0x65: {  	_ =	shalt  }
0x66: {  	_ =	shalt  }
0x67: {  	_ =	shalt  }
0x68: {  	_ =	shalt  }
0x69: {  	_ =	shalt  }
0x6a: {  	_ =	shalt  }
0x6b: {  	_ =	shalt  }
0x6c: {  	_ =	shalt  }
0x6d: {  	_ =	shalt  }
0x6e: {  	_ =	shalt  }
0x6f: {  	_ =	shalt  }
0x70: {  	_ =	shalt  }
0x71: {  	_ =	shalt  }
0x72: {  	_ =	shalt  }
0x73: {  	_ =	shalt  }
0x74: {  	_ =	shalt  }
0x75: {  	_ =	shalt  }
0x76: {  	_ =	shalt  }
0x77: {  	_ =	shalt  }
0x78: {  	_ =	shalt  }
0x79: {  	_ =	shalt  }
0x7a: {  	_ =	shalt  }
0x7b: {  	_ =	shalt  }
0x7c: {  	_ =	shalt  }
0x7d: {  	_ =	shalt  }
0x7e: {  	_ =	shalt  }
0x7f: {  	_ =	shalt  }
0x80: {  	_ =	shalt  }
0x81: {  	_ =	shalt  }
0x82: {  	_ =	shalt  }
0x83: {  	_ =	shalt  }
0x84: {  	_ =	shalt  }
0x85: {  	_ =	shalt  }
0x86: {  	_ =	shalt  }
0x87: {  	_ =	shalt  }
.Lfunc_end0:
.L_simem_size_0:
called_computation_lowered:
.L_overlay_start_0:
0x88: {  	s2 =	sld [smem:$0x3FD9]  }
0x89: {  	s3 =	sld [smem:$0x3FFE];
	_ =	sdelay $0x1  }
0x8a: {  	s1 =	srdreg.scid  }
0x8b: {  	s0 =	sand.u32 $0x1, s1  }
0x8c: {  	s17 =	sshll.u32 s0, $0xA;
	s2 =	sadd.s32 s3, s2  }
0x8d: {  	s2 =	sadd.s32 s2, s17  }
0x8e: {  	[smem:$0x3FC0] =	sst s2  }
0x8f: {  	_ = 	snop  }
0x90: {  	s2 =	sld [smem:$0x3FC6]  }
0x91: {  	s18 =	sld [smem:$0x3FD0];
	(tm) =	ssettm $0x1  }
0x92: {  	s4 =	sld [smem:$0x3FFB];
	_ =	sdelay $0x3  }
0x93: {  	_ =	strace s4  }
0x94: {  	s4 =	sld [smem:$0x3FFC];
	_ =	sdelay $0x3  }
0x95: {  	_ =	strace s4  }
0x96: {  	s4 =	sld [smem:$0x3FFD];
	_ =	sdelay $0x3  }
0x97: {  	_ =	strace s4  }
0x98: {  	_ =	strace $0x8FFFFFFF  }
0x99: {  	s19 =	sld [smem:$0x3FDB];
	_ =	sdelay $0x1  }
0x9a: {  	s5 =	simm.s32 $_scs_section_size  }
0x9b: {  	s6 =	simm.s32 $_size__tile_overlayer_lowered;
	s7 =	simm.s32 $_tile_overlayer_lowered  }
0x9c: {  	s22 =	simm.s32 $0x1BFF;
	s21 =	sshll.u32 s7, $0x1;
	s4 =	sadd.s32 s5, s19  }
0x9d: {  	s8 =	simm.s32 $0x0;
	s20 =	sshll.u32 s6, $0x1;
	s6 =	sadd.s32 s21, s4  }
0x9e: {  	[timem:s8], [sflag:s22] =	dma.local [hbm:s6], s20  }
0x9f: {  	_ =	swait.ge [sflag:s22], s20  }
0xa0: {  	s5 =	ssub.s32 $0x0, s20;
	[sflag:s22] =	ssyncset.done $0x0  }
0xa1: {  	[sflag:s22] =	ssyncadd.s32 s5;
	_ =	sdelay $0x1  }
0xa2: {  	s23 =	simm.s32 $0x1B8B  }
0xa3: {  	_ =	swait.ge [sflag:s23], $0x1  }
0xa4: {  	[sflag:s23] =	ssyncset.done $0x0  }
0xa5: {  	s25 =	simm.s32 $0x1B8E;
	s24 =	sld [smem:$0x3FFE];
	[sflag:s23] =	ssyncadd.s32 $0xFFFFFFFF  }
0xa6: {  	s26 =	simm.s32 $execute0_lowered;
	[smem:$0x3FD2] =	sst s25  }
0xa7: {  	s6 =	sshll.u32 s26, $0x1;
	_ =	strace $0x80000046;
	[dreg:$0x1] =	wrdreg $0xFFFFFFFF  }
0xa8: {  	s28 =	simm.s32 $_size_execute0_lowered;
	s4 =	sadd.s32 s4, s6;
	[dreg:$0x0] =	wrdreg $0x0  }
0xa9: {  	s6 =	sshll.u32 s28, $0x1;
	[dreg:$0x2] =	wrdreg s4  }
0xaa: {  	[dreg:$0x3] =	wrdreg s6  }
0xab: {  	[dreg:$0x4] =	wrdreg $0xC0  }
0xac: {  	_ =	task [dreg:s8], $0x5FFFF  }
0xad: {  	[dreg:$0x1] =	wrdreg $0xFFFFFFFF  }
0xae: {  	[dreg:$0x0] =	wrdreg $0x60  }
0xaf: {  	[dreg:$0x2] =	wrdreg s18  }
0xb0: {  	[dreg:$0x3] =	wrdreg s2  }
0xb1: {  	[dreg:$0x4] =	wrdreg s24  }
0xb2: {  	[dreg:$0x5] =	wrdreg $0x9  }
0xb3: {  	_ =	task.clear_ibuf [dreg:s8], $0x6FFFF;
	_ =	strace $0x90000046  }
0xb4: {  	s29 =	simm.s32 $0x9;
	_ =	strace $0x80000048  }
0xb5: {  	_ =	swait.ge [sflag:s29], $0x1  }
0xb6: {  	[sflag:s29] =	ssyncadd.s32 $0xFFFFFFFF  }
0xb7: {  	_ =	strace $0x90000048  }
0xb8: {  	_ =	sfence  }
0xb9: {  	s30 =	sld [smem:$0x0];
	_ =	sdelay $0x2  }
0xba: {  	s31 =	sshll.u32 s1, $0xD;
	s1 =	sshrl.u32 s1, $0x2  }
0xbb: {  	s3 =	sand.u32 $0x4000, s31;
	s1 =	sadd.s32 s1, s30  }
0xbc: {  	s0 =	sor.u32 s3, s0;
	s1 =	sshll.u32 s1, $0x11  }
0xbd: {  	s0 =	sor.u32 s1, s0  }
0xbe: {  	s0 =	sadd.s32 $0x8F2B, s0  }
0xbf: {  	[sflag:s0] =	ssyncadd.remote.s32 $0x1  }
0xc0: {  	_ =	sfence.sel $0xFFFF  }
0xc1: {  	[dreg:$0x0] =	wrdreg $0xFFFFFFFF;
	(pc) =	sbr.abs _section_cstart, $3  }
0xc2: {  	[dreg:$0x1] =	wrdreg $0xFFFFFFFF  }
0xc3: {  	_ =	task.clear_ibuf [dreg:s8], $0x2FFFF;
	_ =	strace $0x9FFFFFFF  }
0xc4: {  	(tm) =	ssettm $0x7FFFFFFF  }
0xc5: {  	_ =	shalt  }
tec
execute0_lowered:
.L_overlay_start_1:
0x0: {  	(tag) =	ssettag $0x1  }
0x1: {  	s5 =	rddreg [dreg:$0x0]  }
0x2: {  	s1 =	srdreg.scid;
	s2 =	rddreg [dreg:$0x1]  }
0x3: {  	s0 =	stileid.u32;
	s6 =	rddreg [dreg:$0x2];
	s3 =	simm.s32 $0x0  }
0x4: {  	s10 =	simm.s32 $0x2780;
	s11 =	simm.s32 $0x3B80;
	s12 =	simm.s32 $0x1  }
0x5: {  	s13 =	simm.s32 $0x4F80;
	s4 =	sand.u32 $0x1, s1;
	s31 =	sshll.u32 s0, $0x1  }
0x6: {  	s14 =	simm.s32 $0x2;
	s15 =	simm.s32 $0x0;
	s7 =	sor.u32 s4, s31  }
0x7: {  	[smem:$0x7FF] =	sst s3;
	s8 =	ssub.s32 $0x2, s4;
	s7 =	smul.u32 $0x1388, s7  }
0x8: {  	s1 =	rddreg [dreg:$0x3];
	_ =	strace $0x80000047;
	s9 =	sshrl.u32 s8, $0x1  }
0x9: {  	s4 =	sadd.s32 $0xE00, s6;
	s8 =	ssub.s32 s8, s9;
	s7 =	sshrl.u32 s7, $0x3  }
0xa: {  	s9 =	simm.s32 $0x6380;
	s5 =	sadd.s32 s5, s7;
	s7 =	sadd.s32 s7, s6  }
0xb: {  	s8 =	smax.u32 s8, $0x1;
	s6 =	sadd.s32 $0x4E20, s5;
	s7 =	sadd.s32 $0x1000, s7  }
.LBB2_1:
0xc: {  	[tilespmem:s3], [sflag:$0x1] =	stream.linear.gather [hbm4b:s2+s3], $0x2780, $0x38;
	[tilespmem:$0x6400] =	vst v63  }
0xd: {  	_ = 	snop  }
0xe: {  	[tilespmem:s9], [sflag:$0x1] =	stream.linear.gather [hbm4b:s4+s3], $0x80, $0x38;
	[tilespmem:$0x6400] =	vst v63  }
0xf: {  	_ = 	snop  }
0x10: {  	[tilespmem:s10], [sflag:$0x1] =	stream.linear.gather [hbm4b:s5+s3], $0x1388, $0x38;
	[tilespmem:$0x6400] =	vst v63  }
0x11: {  	_ = 	snop  }
0x12: {  	[tilespmem:s11], [sflag:$0x1] =	stream.linear.gather [hbm4b:s6+s3], $0x1388, $0x38;
	[tilespmem:$0x6400] =	vst v63  }
0x13: {  	_ =	swait.ge [sflag:s12], $0x2780  }
0x14: {  	[sflag:s12] =	ssyncset.done $0x0  }
0x15: {  	[sflag:s12] =	ssyncadd.s32 $0xFFFFD880  }
0x16: {  	_ =	swait.ge [sflag:s12], $0x80  }
0x17: {  	[sflag:s12] =	ssyncset.done $0x0  }
0x18: {  	[sflag:s12] =	ssyncadd.s32 $0xFFFFFF80  }
0x19: {  	_ =	swait.ge [sflag:s12], $0x1388  }
0x1a: {  	[sflag:s12] =	ssyncset.done $0x0  }
0x1b: {  	[sflag:s12] =	ssyncadd.s32 $0xFFFFEC78  }
0x1c: {  	_ =	swait.ge [sflag:s12], $0x1388  }
0x1d: {  	[sflag:s12] =	ssyncset.done $0x0  }
0x1e: {  	s16 =	simm.s32 $0x0;
	[sflag:s12] =	ssyncadd.s32 $0xFFFFEC78  }
0x1f: {  	v0 =	vld [tilespmem:s16+$0x2780]  }
0x20: {  	v1 =	vld [tilespmem:s16+$0x3B80];
	_ =	sdelay $0x6  }
0x21: {  	v0 =	vld.idx.msk [tilespmem:v0+s3+$0x0], $0xffff  }
0x22: {  	v2 =	vld.idx.msk [tilespmem:v1+s3+$0x0], $0xffff;
	_ =	sdelay $0x6  }
0x23: {  	v1 =	vld.idx.msk [tilespmem:v0+s9+$0x0], $0xffff  }
0x24: {  	v2 =	vld.idx.msk [tilespmem:v2+s9+$0x0], $0xffff  }
0x25: {  	s18 =	simm.s32 $0x10  }
0x26: {  	s17 =	simm.s32 $0x80;
	v0 =	vld [tilespmem:s18+$0x2780]  }
.LBB2_2:
0x27: {  	p0 =	sne.s32 s17, $0x4DC0;
	v3 =	vld [tilespmem:s18+$0x3B80];
	_ =	sdelay $0x1  }
0x28: {  	v1 =	vadd.f32 v2, v1;
	_ =	sdelay $0x1  }
0x29: {  	v1 =	vmul.f32 $5.000000000e-01, v1;
	_ =	sdelay $0x1  }
0x2a: {  	[tilespmem:s16+$0x4F80] =	vst v1;
	s16 =	smov.u32 s18  }
0x2b: {  	v0 =	vld.idx.msk [tilespmem:v0+s3+$0x0], $0xffff  }
0x2c: {  	v2 =	vld.idx.msk [tilespmem:v3+s3+$0x0], $0xffff;
	_ =	sdelay $0x6  }
.Ltmp0:
0x2d: {  	v1 =	vld.idx.msk [tilespmem:v0+s9+$0x0], $0xffff;
	(pc) =	sbr.rel @p0 .LBB2_2-.Ltmp0, $3  }
0x2e: {  	v2 =	vld.idx.msk [tilespmem:v2+s9+$0x0], $0xffff;
	_ =	sdelay $0x1  }
0x2f: {  	s18 =	sshra.s32 s17, $0x2  }
0x30: {  	s17 =	sadd.s32 $0x40, s17;
	v0 =	vld [tilespmem:s18+$0x2780]  }
0x31: {  	_ = 	snop  }
0x32: {  	v3 =	vld [tilespmem:s18+$0x3B80];
	_ =	sdelay $0x1  }
0x33: {  	v1 =	vadd.f32 v2, v1;
	_ =	sdelay $0x1  }
0x34: {  	v1 =	vmul.f32 $5.000000000e-01, v1;
	_ =	sdelay $0x1  }
0x35: {  	[tilespmem:s16+$0x4F80] =	vst v1  }
0x36: {  	v0 =	vld.idx.msk [tilespmem:v0+s3+$0x0], $0xffff  }
0x37: {  	v1 =	vld.idx.msk [tilespmem:v3+s3+$0x0], $0xffff;
	_ =	sdelay $0x6  }
0x38: {  	v0 =	vld.idx.msk [tilespmem:v0+s9+$0x0], $0xffff  }
0x39: {  	v1 =	vld.idx.msk [tilespmem:v1+s9+$0x0], $0xffff;
	_ =	sdelay $0x4  }
0x3a: {  	v0 =	vadd.f32 v1, v0;
	_ =	sdelay $0x1  }
0x3b: {  	v0 =	vmul.f32 $5.000000000e-01, v0;
	_ =	sdelay $0x1  }
0x3c: {  	[tilespmem:s18+$0x4F80] =	vst v0  }
0x3d: {  	v0 =	vld [tilespmem:$0x3AF8]  }
0x3e: {  	v63 =	vld [tilespmem:$0x4EF8];
	_ =	sdelay $0x6  }
0x3f: {  	v0 =	vld.idx.msk [tilespmem:v0+s3+$0x0], $0xffff  }
0x40: {  	v1 =	vld.idx.msk [tilespmem:v63+s3+$0x0], $0xffff;
	_ =	sdelay $0x6  }
0x41: {  	v0 =	vld.idx.msk [tilespmem:v0+s9+$0x0], $0xffff  }
0x42: {  	v1 =	vld.idx.msk [tilespmem:v1+s9+$0x0], $0xffff;
	_ =	sdelay $0x4  }
0x43: {  	v0 =	vadd.f32 v1, v0;
	_ =	sdelay $0x1  }
0x44: {  	s15 =	sadd.s32 $0x1, s15;
	v0 =	vmul.f32 $5.000000000e-01, v0  }
0x45: {  	p0 =	sne.s32 s15, s8  }
.Ltmp1:
0x46: {  	[tilespmem:$0x62F8] =	vst v0;
	(pc) =	sbr.rel @p0 .LBB2_1-.Ltmp1, $4  }
0x47: {  	[hbm4b:s7+s3] =	stream.linear.scatter [tilespmem:s13], [sflag:$0x2], $0x1388, $0x38;
	[tilespmem:$0x6400] =	vst v63  }
0x48: {  	_ =	swait.ge [sflag:s14], $0x1388  }
0x49: {  	[sflag:s14] =	ssyncset.done $0x0  }
0x4a: {  	[sflag:s14] =	ssyncadd.s32 $0xFFFFEC78  }
0x4b: {  	_ =	sfence.sel $0x180000  }
0x4c: {  	[bflag:$0x0] =	sbarrier.arrive $0xFFFF  }
0x4d: {  	p0 =	sne.s32 s0, $0x0;
	_ =	strace $0x90000047  }
0x4e: {  	s0 =	sadd.s32 @!p0 $0x100000, s1;
	[bflag:$0x2] =	sbarrier.arrive $0xFFFF  }
0x4f: {  	[sflag:s0] =	ssyncadd.tile.s32 @!p0 $0x1;
	_ =	shalt  }
.Lfunc_end2:
_tile_overlayer_lowered:
.L_overlay_start_2:
0x50: {  	(tag) =	ssettag $0x2  }
0x51: {  	s0 =	rddreg [dreg:$0x0];
	s2 =	stileid.u32  }
0x52: {  	s1 =	rddreg [dreg:$0x1];
	p0 =	sne.s32 s2, $0x0  }
0x53: {  	s3 =	rddreg [dreg:$0x2];
	[bflag:$0x3] =	sbarrier.arrive $0xFFFF;
	s2 =	simm.s32 @!p0 $0x1C02  }
0x54: {  	[timem:s3], [sflag:s2] =	dma.local @!p0 [hbm:s0], s1  }
0x55: {  	s0 =	simm.s32 @!p0 $0x2  }
0x56: {  	_ =	swait.ge @!p0 [sflag:s0], s1  }
0x57: {  	s1 =	ssub.s32 @!p0 $0x0, s1;
	[sflag:s0] =	ssyncset.done @!p0 $0x0  }
0x58: {  	[sflag:s0] =	ssyncadd.s32 @!p0 s1  }
0x59: {  	[bflag:$0x3] =	sbarrier.arrive $0xFFFF  }
0x5a: {  	_ =	shalt  }

</sc_bundles>
